<compile_context>
chip_gen: v7x
topology: tpu7x:2x2x1
jax: 0.10.2.dev20260603
libtpu: 0.0.44.dev20260713+nightly
codegen_flags: <defaults>
</compile_context>

<pallas_src>
import functools

import jax
import jax.numpy as jnp
from jax import lax
from jax.experimental import pallas as pl
from jax.experimental.pallas import tpu as pltpu
from jax.experimental.pallas import tpu_sc as plsc

D = 1024
NC = 2
NS = 16
NW = NC * NS
C = 32


def _sc_lookup(B):
    b_per_w = B // NW
    n_chunks = b_per_w // C
    assert n_chunks % 2 == 0
    mesh = plsc.VectorSubcoreMesh(core_axis_name="c", subcore_axis_name="s")

    @functools.partial(
        pl.kernel,
        out_type=jax.ShapeDtypeStruct((B, D), jnp.float32),
        mesh=mesh,
        scratch_types=[
            pltpu.VMEM((n_chunks, C), jnp.int32),
            pltpu.VMEM((C, D), jnp.float32),
            pltpu.VMEM((C, D), jnp.float32),
            pltpu.SemaphoreType.DMA,
            pltpu.SemaphoreType.DMA,
            pltpu.SemaphoreType.DMA,
            pltpu.SemaphoreType.DMA,
        ],
    )
    def k(seg_hbm, emb_hbm, out_hbm, idx_v, buf0, buf1, gs0, gs1, ws0, ws1):
        wid = lax.axis_index("s") * NC + lax.axis_index("c")
        slab = wid * b_per_w
        pltpu.sync_copy(seg_hbm.at[wid], idx_v)

        bufs = (buf0, buf1)
        gsems = (gs0, gs1)
        wsems = (ws0, ws1)

        def gather(i, b):
            return pltpu.make_async_copy(emb_hbm.at[idx_v.at[i]], bufs[b], gsems[b])

        def write(i, b):
            return pltpu.make_async_copy(
                bufs[b], out_hbm.at[pl.ds(slab + i * C, C)], wsems[b])

        gather(0, 0).start()
        gather(1, 1).start()

        def body(g2, carry):
            i = g2 * 2
            gather(i, 0).wait()
            write(i, 0).start()
            gather(i + 1, 1).wait()
            write(i + 1, 1).start()

            @pl.when(i + 2 < n_chunks)
            def _():
                write(i, 0).wait()
                gather(i + 2, 0).start()
                write(i + 1, 1).wait()
                gather(i + 3, 1).start()

            return carry

        lax.fori_loop(0, n_chunks // 2, body, 0)
        write(n_chunks - 2, 0).wait()
        write(n_chunks - 1, 1).wait()

    return k


def kernel(segment_ids, emb):
    Bm, S = segment_ids.shape
    B = Bm * S
    b_per_w = B // NW
    R = 16
    seg3d = segment_ids.reshape(NW, b_per_w // C, C).astype(jnp.int32)
    woff = (2 * R * jnp.arange(NW, dtype=jnp.int32))[:, None, None]
    g_idx = jnp.arange(b_per_w // C, dtype=jnp.int32)[None, :, None]
    c_idx = jnp.arange(C, dtype=jnp.int32)[None, None, :]
    roff = 2 * ((c_idx + g_idx) % R)
    seg3d = seg3d + woff + roff
    emb_rep = jnp.tile(emb, (NW * R, 1))
    out = _sc_lookup(B)(seg3d, emb_rep)
    return out.reshape(Bm, S, D)

# --- scband reference (transcript-rebuilt; emitter-appended) ---
"""Pipeline reference for scband-segment-embedding-39264591020326 (READ-ONLY COPY).

The authoritative reference and input builder live on the scoring server;
editing this copy changes nothing except your own understanding.
"""

import jax, jax.numpy as jnp
import numpy as np

D = 1024

def setup_inputs(seed: int = 0) -> dict:
    key = jax.random.key(seed)
    k1, k2 = jax.random.split(key)
    segment_ids = jax.random.randint(k1, (4, 8192), 0, 2, dtype=jnp.int64)
    emb = jax.random.normal(k2, (2, D), dtype=jnp.float32)
    return {"segment_ids": segment_ids, "emb": emb}

def reference(segment_ids, emb):
    # nn.Embedding lookup: gather rows of the table by segment id
    return jnp.take(emb, segment_ids, axis=0)

if __name__ == "__main__":
    import jax
    _d = setup_inputs()
    print(jax.jit(kernel)(*tuple(_d.values())))

</pallas_src>

<mosaic_0001>
#map = affine_map<(d0, d1) -> (0, 0, 0)>
#map1 = affine_map<(d0, d1) -> (0, 0)>
module attributes {stable_mosaic.version = 14 : i64} {
  func.func @k(%arg0: i32, %arg1: i32, %arg2: memref<32x32x32xi32, #tpu.memory_space<hbm>>, %arg3: memref<1024x1024xf32, #tpu.memory_space<hbm>>, %arg4: memref<32768x1024xf32, #tpu.memory_space<hbm>>, %arg5: memref<32x32xi32, #tpu.memory_space<vmem>>, %arg6: memref<32x1024xf32, #tpu.memory_space<vmem>>, %arg7: memref<32x1024xf32, #tpu.memory_space<vmem>>, %arg8: memref<!tpu.dma_semaphore, #tpu.memory_space<semaphore_mem>>, %arg9: memref<!tpu.dma_semaphore, #tpu.memory_space<semaphore_mem>>, %arg10: memref<!tpu.dma_semaphore, #tpu.memory_space<semaphore_mem>>, %arg11: memref<!tpu.dma_semaphore, #tpu.memory_space<semaphore_mem>>) attributes {dimension_semantics = [#tpu.dimension_semantics<core_parallel>, #tpu.dimension_semantics<subcore_parallel>], iteration_bounds = array<i64: 2, 16>, scalar_prefetch = 0 : i64, scratch_operands = 7 : i64, tpu.core_type = #tpu.core_type<sc_vector_subcore>, window_params = [{transform_indices = #map}, {transform_indices = #map1}, {transform_indices = #map1}]} {
    %mul3A = arith.constant 2 : i32
    %mul3A_0 = arith.muli %arg1, %mul3A : i32
    %add3A = arith.addi %mul3A_0, %arg0 : i32
    %mul3A_1 = arith.constant 1024 : i32
    %mul3A_2 = arith.muli %add3A, %mul3A_1 : i32
    "tpu.region"() ({
      %run_scoped3A = tpu.sem_alloc : memref<!tpu.dma_semaphore, #tpu.memory_space<semaphore_mem>>
      %dma_start3A_32 = arith.constant 0 : i32
      %dma_start3A_33 = arith.constant 0 : i32
      %dma_start3A_34 = tpu.memref_slice %arg2[%add3A, %dma_start3A_32, %dma_start3A_33] : memref<32x32x32xi32, #tpu.memory_space<hbm>> -> memref<1x32x32xi32, #tpu.memory_space<hbm>>
      %dma_start3A_35 = tpu.memref_squeeze %dma_start3A_34 : memref<1x32x32xi32, #tpu.memory_space<hbm>> -> memref<32x32xi32, #tpu.memory_space<hbm>>
      %dma_start3A_36 = arith.constant 0 : i32
      %dma_start3A_37 = arith.constant 0 : i32
      %dma_start3A_38 = tpu.memref_slice %arg2[%add3A, %dma_start3A_36, %dma_start3A_37] : memref<32x32x32xi32, #tpu.memory_space<hbm>> -> memref<1x32x32xi32, #tpu.memory_space<hbm>>
      %dma_start3A_39 = tpu.memref_squeeze %dma_start3A_38 : memref<1x32x32xi32, #tpu.memory_space<hbm>> -> memref<32x32xi32, #tpu.memory_space<hbm>>
      tpu.enqueue_dma source(%dma_start3A_39 : memref<32x32xi32, #tpu.memory_space<hbm>>) target(%arg5 : memref<32x32xi32, #tpu.memory_space<vmem>>) target_semaphore(%run_scoped3A : memref<!tpu.dma_semaphore, #tpu.memory_space<semaphore_mem>>)
      %dma_wait3A_40 = arith.constant 0 : i32
      %dma_wait3A_41 = arith.constant 0 : i32
      %dma_wait3A_42 = tpu.memref_slice %arg2[%add3A, %dma_wait3A_40, %dma_wait3A_41] : memref<32x32x32xi32, #tpu.memory_space<hbm>> -> memref<1x32x32xi32, #tpu.memory_space<hbm>>
      %dma_wait3A_43 = tpu.memref_squeeze %dma_wait3A_42 : memref<1x32x32xi32, #tpu.memory_space<hbm>> -> memref<32x32xi32, #tpu.memory_space<hbm>>
      %dma_wait3A_44 = arith.constant 0 : i32
      %dma_wait3A_45 = arith.constant 0 : i32
      %dma_wait3A_46 = tpu.memref_slice %arg2[%add3A, %dma_wait3A_44, %dma_wait3A_45] : memref<32x32x32xi32, #tpu.memory_space<hbm>> -> memref<1x32x32xi32, #tpu.memory_space<hbm>>
      %dma_wait3A_47 = tpu.memref_squeeze %dma_wait3A_46 : memref<1x32x32xi32, #tpu.memory_space<hbm>> -> memref<32x32xi32, #tpu.memory_space<hbm>>
      tpu.wait_dma2 semaphore(%run_scoped3A : memref<!tpu.dma_semaphore, #tpu.memory_space<semaphore_mem>>) src(%dma_wait3A_47 : memref<32x32xi32, #tpu.memory_space<hbm>>) dst(%arg5 : memref<32x32xi32, #tpu.memory_space<vmem>>)
      tpu.yield
    }) : () -> ()
    %dma_start3A = arith.constant 0 : i32
    %dma_start3A_3 = arith.constant 0 : i32
    %dma_start3A_4 = tpu.memref_slice %arg5[%dma_start3A, %dma_start3A_3] : memref<32x32xi32, #tpu.memory_space<vmem>> -> memref<1x32xi32, #tpu.memory_space<vmem>>
    %dma_start3A_5 = tpu.memref_squeeze %dma_start3A_4 : memref<1x32xi32, #tpu.memory_space<vmem>> -> memref<32xi32, #tpu.memory_space<vmem>>
    %dma_start3A_6 = arith.constant 0 : i32
    %dma_start3A_7 = arith.constant 0 : i32
    %dma_start3A_8 = tpu.memref_slice %arg3[%dma_start3A_6, %dma_start3A_7] : memref<1024x1024xf32, #tpu.memory_space<hbm>> -> memref<1024x1024xf32, #tpu.memory_space<hbm>>
    tpu.enqueue_indirect_dma source(%dma_start3A_8 : memref<1024x1024xf32, #tpu.memory_space<hbm>>) target(%arg6 : memref<32x1024xf32, #tpu.memory_space<vmem>>) offsets(%dma_start3A_5 : memref<32xi32, #tpu.memory_space<vmem>>) semaphore(%arg8 : memref<!tpu.dma_semaphore, #tpu.memory_space<semaphore_mem>>)
    %dma_start3A_9 = arith.constant 1 : i32
    %dma_start3A_10 = arith.constant 0 : i32
    %dma_start3A_11 = tpu.memref_slice %arg5[%dma_start3A_9, %dma_start3A_10] : memref<32x32xi32, #tpu.memory_space<vmem>> -> memref<1x32xi32, #tpu.memory_space<vmem>>
    %dma_start3A_12 = tpu.memref_squeeze %dma_start3A_11 : memref<1x32xi32, #tpu.memory_space<vmem>> -> memref<32xi32, #tpu.memory_space<vmem>>
    %dma_start3A_13 = arith.constant 0 : i32
    %dma_start3A_14 = arith.constant 0 : i32
    %dma_start3A_15 = tpu.memref_slice %arg3[%dma_start3A_13, %dma_start3A_14] : memref<1024x1024xf32, #tpu.memory_space<hbm>> -> memref<1024x1024xf32, #tpu.memory_space<hbm>>
    tpu.enqueue_indirect_dma source(%dma_start3A_15 : memref<1024x1024xf32, #tpu.memory_space<hbm>>) target(%arg7 : memref<32x1024xf32, #tpu.memory_space<vmem>>) offsets(%dma_start3A_12 : memref<32xi32, #tpu.memory_space<vmem>>) semaphore(%arg9 : memref<!tpu.dma_semaphore, #tpu.memory_space<semaphore_mem>>)
    %scan3A = arith.constant 0 : i32
    %scan3A_16 = arith.constant 0 : i32
    %scan3A_17 = arith.constant 16 : i32
    %scan3A_18 = arith.addi %scan3A_16, %scan3A_17 : i32
    %scan3A_19 = arith.constant 1 : i32
    scf.for %scan3A_32 = %scan3A_16 to %scan3A_18 step %scan3A_19  : i32 {
      %mul3A_33 = arith.constant 2 : i32
      %mul3A_34 = arith.muli %scan3A_32, %mul3A_33 : i32
      %dma_wait3A_35 = arith.constant 0 : i32
      %dma_wait3A_36 = tpu.memref_slice %arg5[%mul3A_34, %dma_wait3A_35] : memref<32x32xi32, #tpu.memory_space<vmem>> -> memref<1x32xi32, #tpu.memory_space<vmem>>
      %dma_wait3A_37 = tpu.memref_squeeze %dma_wait3A_36 : memref<1x32xi32, #tpu.memory_space<vmem>> -> memref<32xi32, #tpu.memory_space<vmem>>
      %dma_wait3A_38 = arith.constant 0 : i32
      %dma_wait3A_39 = arith.constant 0 : i32
      %dma_wait3A_40 = tpu.memref_slice %arg3[%dma_wait3A_38, %dma_wait3A_39] : memref<1024x1024xf32, #tpu.memory_space<hbm>> -> memref<1024x1024xf32, #tpu.memory_space<hbm>>
      tpu.wait_indirect_dma semaphore(%arg8 : memref<!tpu.dma_semaphore, #tpu.memory_space<semaphore_mem>>) src(%dma_wait3A_40 : memref<1024x1024xf32, #tpu.memory_space<hbm>>) dst(%arg6 : memref<32x1024xf32, #tpu.memory_space<vmem>>)
      %mul3A_41 = arith.constant 32 : i32
      %mul3A_42 = arith.muli %mul3A_34, %mul3A_41 : i32
      %add3A_43 = arith.addi %mul3A_2, %mul3A_42 : i32
      %dma_start3A_44 = arith.constant 0 : i32
      %dma_start3A_45 = tpu.memref_slice %arg4[%add3A_43, %dma_start3A_44] : memref<32768x1024xf32, #tpu.memory_space<hbm>> -> memref<32x1024xf32, #tpu.memory_space<hbm>>
      %dma_start3A_46 = arith.constant 0 : i32
      %dma_start3A_47 = tpu.memref_slice %arg4[%add3A_43, %dma_start3A_46] : memref<32768x1024xf32, #tpu.memory_space<hbm>> -> memref<32x1024xf32, #tpu.memory_space<hbm>>
      tpu.enqueue_dma source(%arg6 : memref<32x1024xf32, #tpu.memory_space<vmem>>) target(%dma_start3A_47 : memref<32x1024xf32, #tpu.memory_space<hbm>>) target_semaphore(%arg10 : memref<!tpu.dma_semaphore, #tpu.memory_space<semaphore_mem>>)
      %add3A_48 = arith.constant 1 : i32
      %add3A_49 = arith.addi %mul3A_34, %add3A_48 : i32
      %dma_wait3A_50 = arith.constant 0 : i32
      %dma_wait3A_51 = tpu.memref_slice %arg5[%add3A_49, %dma_wait3A_50] : memref<32x32xi32, #tpu.memory_space<vmem>> -> memref<1x32xi32, #tpu.memory_space<vmem>>
      %dma_wait3A_52 = tpu.memref_squeeze %dma_wait3A_51 : memref<1x32xi32, #tpu.memory_space<vmem>> -> memref<32xi32, #tpu.memory_space<vmem>>
      %dma_wait3A_53 = arith.constant 0 : i32
      %dma_wait3A_54 = arith.constant 0 : i32
      %dma_wait3A_55 = tpu.memref_slice %arg3[%dma_wait3A_53, %dma_wait3A_54] : memref<1024x1024xf32, #tpu.memory_space<hbm>> -> memref<1024x1024xf32, #tpu.memory_space<hbm>>
      tpu.wait_indirect_dma semaphore(%arg9 : memref<!tpu.dma_semaphore, #tpu.memory_space<semaphore_mem>>) src(%dma_wait3A_55 : memref<1024x1024xf32, #tpu.memory_space<hbm>>) dst(%arg7 : memref<32x1024xf32, #tpu.memory_space<vmem>>)
      %add3A_56 = arith.constant 1 : i32
      %add3A_57 = arith.addi %mul3A_34, %add3A_56 : i32
      %mul3A_58 = arith.constant 32 : i32
      %mul3A_59 = arith.muli %add3A_57, %mul3A_58 : i32
      %add3A_60 = arith.addi %mul3A_2, %mul3A_59 : i32
      %dma_start3A_61 = arith.constant 0 : i32
      %dma_start3A_62 = tpu.memref_slice %arg4[%add3A_60, %dma_start3A_61] : memref<32768x1024xf32, #tpu.memory_space<hbm>> -> memref<32x1024xf32, #tpu.memory_space<hbm>>
      %dma_start3A_63 = arith.constant 0 : i32
      %dma_start3A_64 = tpu.memref_slice %arg4[%add3A_60, %dma_start3A_63] : memref<32768x1024xf32, #tpu.memory_space<hbm>> -> memref<32x1024xf32, #tpu.memory_space<hbm>>
      tpu.enqueue_dma source(%arg7 : memref<32x1024xf32, #tpu.memory_space<vmem>>) target(%dma_start3A_64 : memref<32x1024xf32, #tpu.memory_space<hbm>>) target_semaphore(%arg11 : memref<!tpu.dma_semaphore, #tpu.memory_space<semaphore_mem>>)
      %add3A_65 = arith.constant 2 : i32
      %add3A_66 = arith.addi %mul3A_34, %add3A_65 : i32
      %lt3A = arith.constant 32 : i32
      %lt3A_67 = arith.cmpi slt, %add3A_66, %lt3A : i32
      %convert_element_type3A = arith.extui %lt3A_67 : i1 to i32
      %cond3A = arith.constant 0 : i32
      %cond3A_68 = arith.cmpi ne, %convert_element_type3A, %cond3A : i32
      scf.if %cond3A_68 {
        %mul3A_69 = arith.constant 32 : i32
        %mul3A_70 = arith.muli %mul3A_34, %mul3A_69 : i32
        %add3A_71 = arith.addi %mul3A_2, %mul3A_70 : i32
        %dma_wait3A_72 = arith.constant 0 : i32
        %dma_wait3A_73 = tpu.memref_slice %arg4[%add3A_71, %dma_wait3A_72] : memref<32768x1024xf32, #tpu.memory_space<hbm>> -> memref<32x1024xf32, #tpu.memory_space<hbm>>
        %dma_wait3A_74 = arith.constant 0 : i32
        %dma_wait3A_75 = tpu.memref_slice %arg4[%add3A_71, %dma_wait3A_74] : memref<32768x1024xf32, #tpu.memory_space<hbm>> -> memref<32x1024xf32, #tpu.memory_space<hbm>>
        tpu.wait_dma2 semaphore(%arg10 : memref<!tpu.dma_semaphore, #tpu.memory_space<semaphore_mem>>) src(%arg6 : memref<32x1024xf32, #tpu.memory_space<vmem>>) dst(%dma_wait3A_75 : memref<32x1024xf32, #tpu.memory_space<hbm>>)
        %add3A_76 = arith.constant 2 : i32
        %add3A_77 = arith.addi %mul3A_34, %add3A_76 : i32
        %dma_start3A_78 = arith.constant 0 : i32
        %dma_start3A_79 = tpu.memref_slice %arg5[%add3A_77, %dma_start3A_78] : memref<32x32xi32, #tpu.memory_space<vmem>> -> memref<1x32xi32, #tpu.memory_space<vmem>>
        %dma_start3A_80 = tpu.memref_squeeze %dma_start3A_79 : memref<1x32xi32, #tpu.memory_space<vmem>> -> memref<32xi32, #tpu.memory_space<vmem>>
        %dma_start3A_81 = arith.constant 0 : i32
        %dma_start3A_82 = arith.constant 0 : i32
        %dma_start3A_83 = tpu.memref_slice %arg3[%dma_start3A_81, %dma_start3A_82] : memref<1024x1024xf32, #tpu.memory_space<hbm>> -> memref<1024x1024xf32, #tpu.memory_space<hbm>>
        tpu.enqueue_indirect_dma source(%dma_start3A_83 : memref<1024x1024xf32, #tpu.memory_space<hbm>>) target(%arg6 : memref<32x1024xf32, #tpu.memory_space<vmem>>) offsets(%dma_start3A_80 : memref<32xi32, #tpu.memory_space<vmem>>) semaphore(%arg8 : memref<!tpu.dma_semaphore, #tpu.memory_space<semaphore_mem>>)
        %add3A_84 = arith.constant 1 : i32
        %add3A_85 = arith.addi %mul3A_34, %add3A_84 : i32
        %mul3A_86 = arith.constant 32 : i32
        %mul3A_87 = arith.muli %add3A_85, %mul3A_86 : i32
        %add3A_88 = arith.addi %mul3A_2, %mul3A_87 : i32
        %dma_wait3A_89 = arith.constant 0 : i32
        %dma_wait3A_90 = tpu.memref_slice %arg4[%add3A_88, %dma_wait3A_89] : memref<32768x1024xf32, #tpu.memory_space<hbm>> -> memref<32x1024xf32, #tpu.memory_space<hbm>>
        %dma_wait3A_91 = arith.constant 0 : i32
        %dma_wait3A_92 = tpu.memref_slice %arg4[%add3A_88, %dma_wait3A_91] : memref<32768x1024xf32, #tpu.memory_space<hbm>> -> memref<32x1024xf32, #tpu.memory_space<hbm>>
        tpu.wait_dma2 semaphore(%arg11 : memref<!tpu.dma_semaphore, #tpu.memory_space<semaphore_mem>>) src(%arg7 : memref<32x1024xf32, #tpu.memory_space<vmem>>) dst(%dma_wait3A_92 : memref<32x1024xf32, #tpu.memory_space<hbm>>)
        %add3A_93 = arith.constant 3 : i32
        %add3A_94 = arith.addi %mul3A_34, %add3A_93 : i32
        %dma_start3A_95 = arith.constant 0 : i32
        %dma_start3A_96 = tpu.memref_slice %arg5[%add3A_94, %dma_start3A_95] : memref<32x32xi32, #tpu.memory_space<vmem>> -> memref<1x32xi32, #tpu.memory_space<vmem>>
        %dma_start3A_97 = tpu.memref_squeeze %dma_start3A_96 : memref<1x32xi32, #tpu.memory_space<vmem>> -> memref<32xi32, #tpu.memory_space<vmem>>
        %dma_start3A_98 = arith.constant 0 : i32
        %dma_start3A_99 = arith.constant 0 : i32
        %dma_start3A_100 = tpu.memref_slice %arg3[%dma_start3A_98, %dma_start3A_99] : memref<1024x1024xf32, #tpu.memory_space<hbm>> -> memref<1024x1024xf32, #tpu.memory_space<hbm>>
        tpu.enqueue_indirect_dma source(%dma_start3A_100 : memref<1024x1024xf32, #tpu.memory_space<hbm>>) target(%arg7 : memref<32x1024xf32, #tpu.memory_space<vmem>>) offsets(%dma_start3A_97 : memref<32xi32, #tpu.memory_space<vmem>>) semaphore(%arg9 : memref<!tpu.dma_semaphore, #tpu.memory_space<semaphore_mem>>)
      } else {
      }
    }
    %scan3A_20 = arith.constant 16 : i32
    %add3A_21 = arith.constant 960 : i32
    %add3A_22 = arith.addi %mul3A_2, %add3A_21 : i32
    %dma_wait3A = arith.constant 0 : i32
    %dma_wait3A_23 = tpu.memref_slice %arg4[%add3A_22, %dma_wait3A] : memref<32768x1024xf32, #tpu.memory_space<hbm>> -> memref<32x1024xf32, #tpu.memory_space<hbm>>
    %dma_wait3A_24 = arith.constant 0 : i32
    %dma_wait3A_25 = tpu.memref_slice %arg4[%add3A_22, %dma_wait3A_24] : memref<32768x1024xf32, #tpu.memory_space<hbm>> -> memref<32x1024xf32, #tpu.memory_space<hbm>>
    tpu.wait_dma2 semaphore(%arg10 : memref<!tpu.dma_semaphore, #tpu.memory_space<semaphore_mem>>) src(%arg6 : memref<32x1024xf32, #tpu.memory_space<vmem>>) dst(%dma_wait3A_25 : memref<32x1024xf32, #tpu.memory_space<hbm>>)
    %add3A_26 = arith.constant 992 : i32
    %add3A_27 = arith.addi %mul3A_2, %add3A_26 : i32
    %dma_wait3A_28 = arith.constant 0 : i32
    %dma_wait3A_29 = tpu.memref_slice %arg4[%add3A_27, %dma_wait3A_28] : memref<32768x1024xf32, #tpu.memory_space<hbm>> -> memref<32x1024xf32, #tpu.memory_space<hbm>>
    %dma_wait3A_30 = arith.constant 0 : i32
    %dma_wait3A_31 = tpu.memref_slice %arg4[%add3A_27, %dma_wait3A_30] : memref<32768x1024xf32, #tpu.memory_space<hbm>> -> memref<32x1024xf32, #tpu.memory_space<hbm>>
    tpu.wait_dma2 semaphore(%arg11 : memref<!tpu.dma_semaphore, #tpu.memory_space<semaphore_mem>>) src(%arg7 : memref<32x1024xf32, #tpu.memory_space<vmem>>) dst(%dma_wait3A_31 : memref<32x1024xf32, #tpu.memory_space<hbm>>)
    return
  }
}

</mosaic_0001>

<sc_bundles>
// kernel: kernel.3.cloned.1.call-start
scs
__scs_entry_jumppad:
0x0: {  	(pc) =	sbr.rel $0x88, $3  }
0x1: {  	(tag) =	ssettag $0x0;
	lr =	simm.s32 $0x1  }
0x2: {  	[smem:$0x3F9F] =	sst lr;
	_ =	strace $0xD0000000  }
0x3: {  	_ = 	snop  }
0x4: {  	_ = 	snop  }
0x5: {  	_ = 	snop  }
0x6: {  	_ = 	snop  }
0x7: {  	_ = 	snop  }
__scs_overlays_trampoline_lowered:
0x8: {  	[smem:$0x3FAE] =	sst s0  }
0x9: {  	[smem:$0x3FAF] =	sst s1  }
0xa: {  	[smem:$0x3FB0] =	sst s2  }
0xb: {  	[smem:$0x3FB1] =	sst s3  }
0xc: {  	[smem:$0x3FB2] =	sst s4  }
0xd: {  	[smem:$0x3FB3] =	sst s5  }
0xe: {  	[smem:$0x3FB4] =	sst s6  }
0xf: {  	[smem:$0x3FB5] =	sst s7  }
0x10: {  	[smem:$0x3FB6] =	sst s8  }
0x11: {  	[smem:$0x3FB7] =	sst s9;
	s0 =	simm.s32 @!p0 $0x0  }
0x12: {  	s1 =	sld [smem:$0x3F9D];
	s0 =	simm.s32 @p0 $0x1  }
0x13: {  	[smem:$0x3FB8] =	sst s0;
	s0 =	simm.s32 @!p1 $0x0  }
0x14: {  	s2 =	sld [smem:$0x3F9C];
	s0 =	simm.s32 @p1 $0x1  }
0x15: {  	[smem:$0x3FB9] =	sst s0;
	s0 =	simm.s32 @!p2 $0x0  }
0x16: {  	s3 =	sld [smem:$0x3FDB];
	s0 =	simm.s32 @p2 $0x1  }
0x17: {  	s4 =	simm.s32 $0x1BF5;
	[smem:$0x3FBB] =	sst s0  }
0x18: {  	s0 =	sld [smem:$0x3F9E];
	_ =	swait.ge [sflag:s4], $0x0  }
0x19: {  	s7 =	sld [smem:$0x3F9F]  }
0x1a: {  	s8 =	sadd.s32 $0xFFFFE003, lr  }
0x1b: {  	s9 =	sadd.s32 $0xFFFFFEF7, lr;
	s5 =	simm.s32 $0xFFFFFFFF;
	p2 =	slt.u32 s8, $0xFFFFF086  }
0x1c: {  	p1 =	slt.u32 s9, $0xF7A;
	s5 =	simm.s32 @!p2 $0x0  }
0x1d: {  	s5 =	simm.s32 @p1 $0x1;
	p0 =	seq.s32 s7, s2  }
0x1e: {  	s7 =	smul.u32 @!p0 $0xF7A, s2;
	p2 =	seq.s32 @!p0 s5, $0x0  }
0x1f: {  	s9 =	smul.u32 $0xF7A, s1;
	s8 =	simm.s32 @!p0 $0x1BF5;
	p2 =	por !p2, p0  }
0x20: {  	[sflag:s8] =	ssyncset.s32 @!p0 $0xFFFFF086;
	s6 =	sadd.s32 @!p0 s3, s7;
	s7 =	simm.s32 @!p0 $0x108  }
0x21: {  	s3 =	sadd.s32 s3, s9;
	s6 =	sadd.s32 @!p0 $0x88, s6;
	s7 =	simm.s32 @p2 $0x1082  }
0x22: {  	[simem:s7], [sflag:s8] =	dma.local @!p0 [hbm:s6], $0xF7A  }
0x23: {  	s9 =	sor.u32 $0xD0000000, s2;
	s6 =	simm.s32 $0x108;
	_ =	swait.ge @!p0 [sflag:s8], $0x0  }
0x24: {  	s3 =	sadd.s32 $0x88, s3;
	s6 =	simm.s32 @!p1 $0x1082;
	[sflag:s4] =	ssyncset.s32 $0xFFFFF086  }
0x25: {  	[simem:s6], [sflag:s4] =	dma.local [hbm:s3], $0xF7A  }
0x26: {  	[smem:$0x3F9F] =	sst s1;
	(tag) =	ssettag s2;
	_ =	strace s9  }
0x27: {  	s1 =	sld [smem:$0x3FAF]  }
0x28: {  	s2 =	sld [smem:$0x3FB0]  }
0x29: {  	s4 =	sld [smem:$0x3FB2]  }
0x2a: {  	p0 =	seq.s32 s5, $0x0;
	s5 =	sld [smem:$0x3FB3]  }
0x2b: {  	s6 =	sld [smem:$0x3FB4]  }
0x2c: {  	s7 =	sld [smem:$0x3FB5]  }
0x2d: {  	s3 =	simm.s32 $0x108;
	s8 =	sld [smem:$0x3FB6]  }
0x2e: {  	s3 =	simm.s32 @!p0 $0x1082;
	s9 =	sld [smem:$0x3FB7]  }
0x2f: {  	lr =	sadd.s32 s0, s3;
	s0 =	sld [smem:$0x3FAE]  }
0x30: {  	s3 =	sld [smem:$0x3FB1]  }
0x31: {  	[smem:$0x3FBA] =	sst s10  }
0x32: {  	s10 =	sld [smem:$0x3FB8];
	_ =	sdelay $0x3  }
0x33: {  	p0 =	seq.s32 s10, $0x1;
	s10 =	sld [smem:$0x3FBA];
	_ =	sdelay $0x3  }
0x34: {  	[smem:$0x3FBA] =	sst s10  }
0x35: {  	s10 =	sld [smem:$0x3FB9];
	_ =	sdelay $0x3  }
0x36: {  	p1 =	seq.s32 s10, $0x1;
	s10 =	sld [smem:$0x3FBA];
	_ =	sdelay $0x3  }
0x37: {  	[smem:$0x3FBA] =	sst s10  }
0x38: {  	s10 =	sld [smem:$0x3FBB]  }
0x39: {  	_ = 	snop;
	(pc) =	sbr.ind lr, $3  }
0x3a: {  	_ = 	snop  }
0x3b: {  	_ = 	snop  }
0x3c: {  	p2 =	seq.s32 s10, $0x1;
	s10 =	sld [smem:$0x3FBA]  }
0x3d: {  	_ =	shalt  }
0x3e: {  	_ =	shalt  }
0x3f: {  	_ =	shalt  }
0x40: {  	_ =	shalt  }
0x41: {  	_ =	shalt  }
0x42: {  	_ =	shalt  }
0x43: {  	_ =	shalt  }
0x44: {  	_ =	shalt  }
0x45: {  	_ =	shalt  }
0x46: {  	_ =	shalt  }
0x47: {  	_ =	shalt  }
0x48: {  	_ =	shalt  }
0x49: {  	_ =	shalt  }
0x4a: {  	_ =	shalt  }
0x4b: {  	_ =	shalt  }
0x4c: {  	_ =	shalt  }
0x4d: {  	_ =	shalt  }
0x4e: {  	_ =	shalt  }
0x4f: {  	_ =	shalt  }
0x50: {  	_ =	shalt  }
0x51: {  	_ =	shalt  }
0x52: {  	_ =	shalt  }
0x53: {  	_ =	shalt  }
0x54: {  	_ =	shalt  }
0x55: {  	_ =	shalt  }
0x56: {  	_ =	shalt  }
0x57: {  	_ =	shalt  }
0x58: {  	_ =	shalt  }
0x59: {  	_ =	shalt  }
0x5a: {  	_ =	shalt  }
0x5b: {  	_ =	shalt  }
0x5c: {  	_ =	shalt  }
0x5d: {  	_ =	shalt  }
0x5e: {  	_ =	shalt  }
0x5f: {  	_ =	shalt  }
0x60: {  	_ =	shalt  }
0x61: {  	_ =	shalt  }
0x62: {  	_ =	shalt  }
0x63: {  	_ =	shalt  }
0x64: {  	_ =	shalt  }
0x65: {  	_ =	shalt  }
0x66: {  	_ =	shalt  }
0x67: {  	_ =	shalt  }
0x68: {  	_ =	shalt  }
0x69: {  	_ =	shalt  }
0x6a: {  	_ =	shalt  }
0x6b: {  	_ =	shalt  }
0x6c: {  	_ =	shalt  }
0x6d: {  	_ =	shalt  }
0x6e: {  	_ =	shalt  }
0x6f: {  	_ =	shalt  }
0x70: {  	_ =	shalt  }
0x71: {  	_ =	shalt  }
0x72: {  	_ =	shalt  }
0x73: {  	_ =	shalt  }
0x74: {  	_ =	shalt  }
0x75: {  	_ =	shalt  }
0x76: {  	_ =	shalt  }
0x77: {  	_ =	shalt  }
0x78: {  	_ =	shalt  }
0x79: {  	_ =	shalt  }
0x7a: {  	_ =	shalt  }
0x7b: {  	_ =	shalt  }
0x7c: {  	_ =	shalt  }
0x7d: {  	_ =	shalt  }
0x7e: {  	_ =	shalt  }
0x7f: {  	_ =	shalt  }
0x80: {  	_ =	shalt  }
0x81: {  	_ =	shalt  }
0x82: {  	_ =	shalt  }
0x83: {  	_ =	shalt  }
0x84: {  	_ =	shalt  }
0x85: {  	_ =	shalt  }
0x86: {  	_ =	shalt  }
0x87: {  	_ =	shalt  }
.Lfunc_end0:
.L_simem_size_0:
called_computation_lowered:
.L_overlay_start_0:
0x88: {  	s2 =	sld [smem:$0x3FD9]  }
0x89: {  	s3 =	sld [smem:$0x3FFE];
	_ =	sdelay $0x1  }
0x8a: {  	s1 =	srdreg.scid  }
0x8b: {  	s0 =	sand.u32 $0x1, s1  }
0x8c: {  	s17 =	sshll.u32 s0, $0xA;
	s2 =	sadd.s32 s3, s2  }
0x8d: {  	s2 =	sadd.s32 s2, s17  }
0x8e: {  	[smem:$0x3FC6] =	sst s2  }
0x8f: {  	_ = 	snop  }
0x90: {  	s2 =	sld [smem:$0x3FD0];
	(tm) =	ssettm $0x1  }
0x91: {  	s18 =	sld [smem:$0x3FFB];
	_ =	sdelay $0x3  }
0x92: {  	_ =	strace s18  }
0x93: {  	s3 =	sld [smem:$0x3FFC];
	_ =	sdelay $0x3  }
0x94: {  	_ =	strace s3  }
0x95: {  	s3 =	sld [smem:$0x3FFD];
	_ =	sdelay $0x3  }
0x96: {  	_ =	strace s3  }
0x97: {  	_ =	strace $0x8FFFFFFF  }
0x98: {  	s19 =	sld [smem:$0x3FDB];
	_ =	sdelay $0x1  }
0x99: {  	s4 =	simm.s32 $_scs_section_size  }
0x9a: {  	s5 =	simm.s32 $_size__tile_overlayer_lowered;
	s6 =	simm.s32 $_tile_overlayer_lowered  }
0x9b: {  	s22 =	simm.s32 $0x1BFF;
	s21 =	sshll.u32 s6, $0x1;
	s3 =	sadd.s32 s4, s19  }
0x9c: {  	s7 =	simm.s32 $0x0;
	s20 =	sshll.u32 s5, $0x1;
	s5 =	sadd.s32 s21, s3  }
0x9d: {  	[timem:s7], [sflag:s22] =	dma.local [hbm:s5], s20  }
0x9e: {  	_ =	swait.ge [sflag:s22], s20  }
0x9f: {  	s4 =	ssub.s32 $0x0, s20;
	[sflag:s22] =	ssyncset.done $0x0  }
0xa0: {  	[sflag:s22] =	ssyncadd.s32 s4;
	_ =	sdelay $0x1  }
0xa1: {  	s23 =	simm.s32 $0x1B8B  }
0xa2: {  	_ =	swait.ge [sflag:s23], $0x1  }
0xa3: {  	[sflag:s23] =	ssyncset.done $0x0  }
0xa4: {  	s25 =	simm.s32 $0x1B8E;
	s24 =	sld [smem:$0x3FFE];
	[sflag:s23] =	ssyncadd.s32 $0xFFFFFFFF  }
0xa5: {  	s26 =	simm.s32 $execute0_lowered;
	[smem:$0x3FD2] =	sst s25  }
0xa6: {  	s5 =	sshll.u32 s26, $0x1;
	_ =	strace $0x80000046;
	[dreg:$0x1] =	wrdreg $0xFFFFFFFF  }
0xa7: {  	s28 =	simm.s32 $_size_execute0_lowered;
	s3 =	sadd.s32 s3, s5;
	[dreg:$0x0] =	wrdreg $0x0  }
0xa8: {  	s5 =	sshll.u32 s28, $0x1;
	[dreg:$0x2] =	wrdreg s3  }
0xa9: {  	[dreg:$0x3] =	wrdreg s5  }
0xaa: {  	[dreg:$0x4] =	wrdreg $0xC0  }
0xab: {  	_ =	task [dreg:s7], $0x5FFFF  }
0xac: {  	[dreg:$0x1] =	wrdreg $0xFFFFFFFF  }
0xad: {  	[dreg:$0x0] =	wrdreg $0x60  }
0xae: {  	[dreg:$0x2] =	wrdreg s24  }
0xaf: {  	[dreg:$0x3] =	wrdreg s2  }
0xb0: {  	[dreg:$0x4] =	wrdreg $0x9  }
0xb1: {  	_ =	task.clear_ibuf [dreg:s7], $0x5FFFF;
	_ =	strace $0x90000046  }
0xb2: {  	s29 =	simm.s32 $0x9;
	_ =	strace $0x80000048  }
0xb3: {  	_ =	swait.ge [sflag:s29], $0x1  }
0xb4: {  	[sflag:s29] =	ssyncadd.s32 $0xFFFFFFFF  }
0xb5: {  	_ =	strace $0x90000048  }
0xb6: {  	_ =	sfence  }
0xb7: {  	s30 =	sld [smem:$0x0];
	_ =	sdelay $0x2  }
0xb8: {  	s31 =	sshll.u32 s1, $0xD;
	s1 =	sshrl.u32 s1, $0x2  }
0xb9: {  	s3 =	sand.u32 $0x4000, s31;
	s1 =	sadd.s32 s1, s30  }
0xba: {  	s0 =	sor.u32 s3, s0;
	s1 =	sshll.u32 s1, $0x11  }
0xbb: {  	s0 =	sor.u32 s1, s0  }
0xbc: {  	s0 =	sadd.s32 $0x8F2B, s0  }
0xbd: {  	[sflag:s0] =	ssyncadd.remote.s32 $0x1  }
0xbe: {  	_ =	sfence.sel $0xFFFF  }
0xbf: {  	[dreg:$0x0] =	wrdreg $0xFFFFFFFF;
	(pc) =	sbr.abs _section_cstart, $3  }
0xc0: {  	[dreg:$0x1] =	wrdreg $0xFFFFFFFF  }
0xc1: {  	_ =	task.clear_ibuf [dreg:s7], $0x2FFFF;
	_ =	strace $0x9FFFFFFF  }
0xc2: {  	(tm) =	ssettm $0x7FFFFFFF  }
0xc3: {  	_ =	shalt  }
tec
execute0_lowered:
.L_overlay_start_1:
0x0: {  	(tag) =	ssettag $0x1  }
0x1: {  	s0 =	rddreg [dreg:$0x0]  }
0x2: {  	s1 =	rddreg [dreg:$0x1];
	s3 =	srdreg.scid  }
0x3: {  	s2 =	simm.s32 $0x0;
	s9 =	stileid.u32;
	s11 =	simm.s32 $0x1000  }
0x4: {  	s28 =	simm.s32 $0x9000;
	s29 =	simm.s32 $0x9800;
	s30 =	simm.s32 $0xA000  }
0x5: {  	s31 =	simm.s32 $0xA800;
	s10 =	simm.s32 $0xD000;
	s12 =	simm.s32 $0xD800  }
0x6: {  	s13 =	simm.s32 $0xE000;
	s14 =	simm.s32 $0xE800;
	s15 =	simm.s32 $0xF000  }
0x7: {  	s16 =	simm.s32 $0xF800;
	s17 =	simm.s32 $0x10000;
	s18 =	simm.s32 $0x10800  }
0x8: {  	s19 =	simm.s32 $0x1;
	s20 =	simm.s32 $0x2;
	s21 =	simm.s32 $0x3  }
0x9: {  	s4 =	sand.u32 $0x1, s3;
	[smem:$0x7FF] =	sst s2;
	s22 =	sshll.u32 s9, $0xA  }
0xa: {  	s25 =	sshll.u32 s9, $0x12;
	s5 =	sshll.u32 s4, $0x9;
	_ =	strace $0x80000047  }
0xb: {  	s23 =	ssub.s32 $0x2, s4;
	s26 =	sshll.u32 s4, $0x11;
	s4 =	simm.s32 $0xC000  }
0xc: {  	s3 =	sor.u32 s5, s22;
	s7 =	sshrl.u32 s23, $0x1;
	s5 =	sadd.s32 $0x500, s0  }
0xd: {  	s22 =	simm.s32 $0x4;
	s6 =	sadd.s32 s3, s0;
	s3 =	sadd.s32 $0x400, s0  }
.Ltmp0:
0xe: {  	s8 =	ssub.s32 s23, s7;
	s7 =	sadd.s32 $0x700, s0;
	(pc) =	sbr.rel .LBB2_1-.Ltmp0, $4  }
0xf: {  	s24 =	sadd.s32 $0x20400, s6;
	s6 =	sadd.s32 $0x600, s0;
	s8 =	smax.u32 s8, $0x1  }
0x10: {  	v2 =	vlaneseq.u32;
	s0 =	sadd.s32 s25, s1;
	s1 =	simm.s32 $0xB800;
	[dreg:$0x3] =	wrdreg s24  }
0x11: {  	vm0 =	vmmov $0xffff;
	v1 =	vshrl.u32 v2, $0x3;
	[dreg:$0x4] =	wrdreg s8;
	s9 =	sadd.s32 s26, s0;
	s26 =	simm.s32 $0x8800  }
0x12: {  	v0 =	vand.u32 $0x7, v2;
	v2 =	vor.u32 $0x8, v2;
	v1 =	vmul.u32 $0x8, v1;
	s0 =	simm.s32 $0xB000;
	s8 =	simm.s32 $0xC800;
	s24 =	simm.s32 $0x0  }
.LBB2_4:
0x13: {  	_ =	swait.ge [sflag:s21], $0x8000  }
0x14: {  	[sflag:s21] =	ssyncset.done $0x0  }
0x15: {  	[sflag:s21] =	ssyncadd.s32 $0xFFFF8000  }
0x16: {  	_ =	swait.ge [sflag:s22], $0x8000  }
0x17: {  	s24 =	rddreg [dreg:$0x5]  }
0x18: {  	s23 =	rddreg [dreg:$0x4];
	s24 =	sadd.s32 $0x1, s24  }
0x19: {  	p0 =	sne.s32 s24, s23  }
.Ltmp1:
0x1a: {  	_ = 	snop;
	(pc) =	sbr.rel @!p0 .LBB2_5-.Ltmp1, $3  }
0x1b: {  	_ =	sdelay $0x1  }
0x1c: {  	[sflag:s22] =	ssyncset.done $0x0  }
0x1d: {  	[sflag:s22] =	ssyncadd.s32 $0xFFFF8000  }
.LBB2_1:
0x1e: {  	[dreg:$0x5] =	wrdreg s24  }
0x1f: {  	s23 =	rddreg [dreg:$0x3];
	s25 =	simm.s32 $0x5  }
0x20: {  	[tilespmem:s2], [sflag:$0x5] =	stream.linear.gather [hbm4b:s23+s2], $0x1000, $0x38;
	[tilespmem:$0x11000] =	vst v63  }
0x21: {  	_ =	swait.ge [sflag:s25], $0x1000  }
0x22: {  	[sflag:s25] =	ssyncset.done $0x0  }
0x23: {  	[sflag:s25] =	ssyncadd.s32 $0xFFFFF000  }
0x24: {  	v3 =	vld [tilespmem:$0x0];
	_ =	sdelay $0x4  }
0x25: {  	v4 =	vshll.u32 v3, $0x3  }
0x26: {  	v3 =	vand.u32 $0x7, v3;
	v4 =	vand.u32 $0xFFFFFFC0, v4  }
0x27: {  	v3 =	vor.u32 v3, v4  }
0x28: {  	v4 =	vperm.xlane v3, v0;
	_ =	sdelay $0x1  }
0x29: {  	v4 =	vadd.s32 v1, v4;
	_ =	sdelay $0x4  }
0x2a: {  	[tilespmem:s11], [sflag:$0x1] =	stream.indirect_vreg.gather [hbm4b:s3+s2], $0x80, v4, vm0, $0xb8;
	[tilespmem:$0x11000] =	vst v63  }
0x2b: {  	s24 =	simm.s32 $0x1800;
	v3 =	vperm.xlane v3, v2  }
0x2c: {  	[tilespmem:s24], [sflag:$0x1] =	stream.indirect_vreg.gather [hbm4b:s5+s2], $0x80, v4, vm0, $0xb8;
	[tilespmem:$0x11000] =	vst v63  }
0x2d: {  	s25 =	simm.s32 $0x2000;
	v3 =	vadd.s32 v1, v3  }
0x2e: {  	[tilespmem:s25], [sflag:$0x1] =	stream.indirect_vreg.gather [hbm4b:s6+s2], $0x80, v4, vm0, $0xb8;
	[tilespmem:$0x11000] =	vst v63  }
0x2f: {  	s24 =	simm.s32 $0x2800  }
0x30: {  	[tilespmem:s24], [sflag:$0x1] =	stream.indirect_vreg.gather [hbm4b:s7+s2], $0x80, v4, vm0, $0xb8;
	[tilespmem:$0x11000] =	vst v63  }
0x31: {  	s25 =	simm.s32 $0x3000  }
0x32: {  	[tilespmem:s25], [sflag:$0x1] =	stream.indirect_vreg.gather [hbm4b:s3+s2], $0x80, v3, vm0, $0xb8;
	[tilespmem:$0x11000] =	vst v63  }
0x33: {  	s24 =	simm.s32 $0x3800  }
0x34: {  	[tilespmem:s24], [sflag:$0x1] =	stream.indirect_vreg.gather [hbm4b:s5+s2], $0x80, v3, vm0, $0xb8;
	[tilespmem:$0x11000] =	vst v63  }
0x35: {  	s25 =	simm.s32 $0x4000  }
0x36: {  	[tilespmem:s25], [sflag:$0x1] =	stream.indirect_vreg.gather [hbm4b:s6+s2], $0x80, v3, vm0, $0xb8;
	[tilespmem:$0x11000] =	vst v63  }
0x37: {  	s24 =	simm.s32 $0x4800  }
0x38: {  	[tilespmem:s24], [sflag:$0x1] =	stream.indirect_vreg.gather [hbm4b:s7+s2], $0x80, v3, vm0, $0xb8;
	[tilespmem:$0x11000] =	vst v63  }
0x39: {  	v3 =	vld [tilespmem:$0x10];
	_ =	sdelay $0x4  }
0x3a: {  	v61 =	vshll.u32 v3, $0x3  }
0x3b: {  	v3 =	vand.u32 $0x7, v3;
	v4 =	vand.u32 $0xFFFFFFC0, v61  }
0x3c: {  	v3 =	vor.u32 v3, v4  }
0x3d: {  	v4 =	vperm.xlane v3, v0;
	_ =	sdelay $0x1  }
0x3e: {  	v4 =	vadd.s32 v1, v4;
	_ =	sdelay $0x3  }
0x3f: {  	s25 =	simm.s32 $0x5000  }
0x40: {  	[tilespmem:s25], [sflag:$0x1] =	stream.indirect_vreg.gather [hbm4b:s3+s2], $0x80, v4, vm0, $0xb8;
	[tilespmem:$0x11000] =	vst v63  }
0x41: {  	s24 =	simm.s32 $0x5800;
	v3 =	vperm.xlane v3, v2  }
0x42: {  	[tilespmem:s24], [sflag:$0x1] =	stream.indirect_vreg.gather [hbm4b:s5+s2], $0x80, v4, vm0, $0xb8;
	[tilespmem:$0x11000] =	vst v63  }
0x43: {  	v3 =	vadd.s32 v1, v3;
	s25 =	simm.s32 $0x6000  }
0x44: {  	[tilespmem:s25], [sflag:$0x1] =	stream.indirect_vreg.gather [hbm4b:s6+s2], $0x80, v4, vm0, $0xb8;
	[tilespmem:$0x11000] =	vst v63  }
0x45: {  	s24 =	simm.s32 $0x6800  }
0x46: {  	[tilespmem:s24], [sflag:$0x1] =	stream.indirect_vreg.gather [hbm4b:s7+s2], $0x80, v4, vm0, $0xb8;
	[tilespmem:$0x11000] =	vst v63  }
0x47: {  	s25 =	simm.s32 $0x7000  }
0x48: {  	[tilespmem:s25], [sflag:$0x1] =	stream.indirect_vreg.gather [hbm4b:s3+s2], $0x80, v3, vm0, $0xb8;
	[tilespmem:$0x11000] =	vst v63  }
0x49: {  	s24 =	simm.s32 $0x7800  }
0x4a: {  	[tilespmem:s24], [sflag:$0x1] =	stream.indirect_vreg.gather [hbm4b:s5+s2], $0x80, v3, vm0, $0xb8;
	[tilespmem:$0x11000] =	vst v63  }
0x4b: {  	s25 =	simm.s32 $0x8000  }
0x4c: {  	[tilespmem:s25], [sflag:$0x1] =	stream.indirect_vreg.gather [hbm4b:s6+s2], $0x80, v3, vm0, $0xb8;
	[tilespmem:$0x11000] =	vst v63  }
0x4d: {  	_ = 	snop  }
0x4e: {  	[tilespmem:s26], [sflag:$0x1] =	stream.indirect_vreg.gather [hbm4b:s7+s2], $0x80, v3, vm0, $0xb8;
	[tilespmem:$0x11000] =	vst v63  }
0x4f: {  	v3 =	vld [tilespmem:$0x80];
	_ =	sdelay $0x4  }
0x50: {  	v62 =	vshll.u32 v3, $0x3  }
0x51: {  	v3 =	vand.u32 $0x7, v3;
	v4 =	vand.u32 $0xFFFFFFC0, v62  }
0x52: {  	v3 =	vor.u32 v3, v4  }
0x53: {  	v4 =	vperm.xlane v3, v0;
	_ =	sdelay $0x1  }
0x54: {  	v4 =	vadd.s32 v1, v4;
	_ =	sdelay $0x4  }
0x55: {  	[tilespmem:s28], [sflag:$0x2] =	stream.indirect_vreg.gather [hbm4b:s3+s2], $0x80, v4, vm0, $0xb8;
	[tilespmem:$0x11000] =	vst v63  }
0x56: {  	v3 =	vperm.xlane v3, v2  }
0x57: {  	[tilespmem:s29], [sflag:$0x2] =	stream.indirect_vreg.gather [hbm4b:s5+s2], $0x80, v4, vm0, $0xb8;
	[tilespmem:$0x11000] =	vst v63  }
0x58: {  	v3 =	vadd.s32 v1, v3  }
0x59: {  	[tilespmem:s30], [sflag:$0x2] =	stream.indirect_vreg.gather [hbm4b:s6+s2], $0x80, v4, vm0, $0xb8;
	[tilespmem:$0x11000] =	vst v63  }
0x5a: {  	_ = 	snop  }
0x5b: {  	[tilespmem:s31], [sflag:$0x2] =	stream.indirect_vreg.gather [hbm4b:s7+s2], $0x80, v4, vm0, $0xb8;
	[tilespmem:$0x11000] =	vst v63  }
0x5c: {  	_ = 	snop  }
0x5d: {  	[tilespmem:s0], [sflag:$0x2] =	stream.indirect_vreg.gather [hbm4b:s3+s2], $0x80, v3, vm0, $0xb8;
	[tilespmem:$0x11000] =	vst v63  }
0x5e: {  	_ = 	snop  }
0x5f: {  	[tilespmem:s1], [sflag:$0x2] =	stream.indirect_vreg.gather [hbm4b:s5+s2], $0x80, v3, vm0, $0xb8;
	[tilespmem:$0x11000] =	vst v63  }
0x60: {  	_ = 	snop  }
0x61: {  	[tilespmem:s4], [sflag:$0x2] =	stream.indirect_vreg.gather [hbm4b:s6+s2], $0x80, v3, vm0, $0xb8;
	[tilespmem:$0x11000] =	vst v63  }
0x62: {  	_ = 	snop  }
0x63: {  	[tilespmem:s8], [sflag:$0x2] =	stream.indirect_vreg.gather [hbm4b:s7+s2], $0x80, v3, vm0, $0xb8;
	[tilespmem:$0x11000] =	vst v63  }
0x64: {  	v3 =	vld [tilespmem:$0x90];
	_ =	sdelay $0x4  }
0x65: {  	v63 =	vshll.u32 v3, $0x3  }
0x66: {  	v3 =	vand.u32 $0x7, v3;
	v4 =	vand.u32 $0xFFFFFFC0, v63  }
0x67: {  	v3 =	vor.u32 v3, v4  }
0x68: {  	v4 =	vperm.xlane v3, v0;
	_ =	sdelay $0x1  }
0x69: {  	v4 =	vadd.s32 v1, v4;
	_ =	sdelay $0x4  }
0x6a: {  	[tilespmem:s10], [sflag:$0x2] =	stream.indirect_vreg.gather [hbm4b:s3+s2], $0x80, v4, vm0, $0xb8;
	[tilespmem:$0x11000] =	vst v63  }
0x6b: {  	v3 =	vperm.xlane v3, v2  }
0x6c: {  	[tilespmem:s12], [sflag:$0x2] =	stream.indirect_vreg.gather [hbm4b:s5+s2], $0x80, v4, vm0, $0xb8;
	[tilespmem:$0x11000] =	vst v63  }
0x6d: {  	v3 =	vadd.s32 v1, v3  }
0x6e: {  	[tilespmem:s13], [sflag:$0x2] =	stream.indirect_vreg.gather [hbm4b:s6+s2], $0x80, v4, vm0, $0xb8;
	[tilespmem:$0x11000] =	vst v63  }
0x6f: {  	_ = 	snop  }
0x70: {  	[tilespmem:s14], [sflag:$0x2] =	stream.indirect_vreg.gather [hbm4b:s7+s2], $0x80, v4, vm0, $0xb8;
	[tilespmem:$0x11000] =	vst v63  }
0x71: {  	_ = 	snop  }
0x72: {  	[tilespmem:s15], [sflag:$0x2] =	stream.indirect_vreg.gather [hbm4b:s3+s2], $0x80, v3, vm0, $0xb8;
	[tilespmem:$0x11000] =	vst v63  }
0x73: {  	_ = 	snop  }
0x74: {  	[tilespmem:s16], [sflag:$0x2] =	stream.indirect_vreg.gather [hbm4b:s5+s2], $0x80, v3, vm0, $0xb8;
	[tilespmem:$0x11000] =	vst v63  }
0x75: {  	_ = 	snop  }
0x76: {  	[tilespmem:s17], [sflag:$0x2] =	stream.indirect_vreg.gather [hbm4b:s6+s2], $0x80, v3, vm0, $0xb8;
	[tilespmem:$0x11000] =	vst v63  }
0x77: {  	s23 =	simm.s32 $0x190;
	s24 =	simm.s32 $0x0  }
0x78: {  	[tilespmem:s18], [sflag:$0x2] =	stream.indirect_vreg.gather [hbm4b:s7+s2], $0x80, v3, vm0, $0xb8;
	[tilespmem:$0x11000] =	vst v63  }
.LBB2_2:
0x79: {  	_ =	swait.ge [sflag:s19], $0x8000  }
0x7a: {  	[sflag:s19] =	ssyncset.done $0x0  }
0x7b: {  	s25 =	sadd.s32 s24, s9;
	p0 =	seq.s32 s24, $0x1E000;
	[sflag:s19] =	ssyncadd.s32 $0xFFFF8000  }
0x7c: {  	[hbm4b:s25+s2] =	stream.linear.scatter [tilespmem:s11], [sflag:$0x3], $0x8000, $0x38;
	[tilespmem:$0x11000] =	vst v63  }
.Ltmp2:
0x7d: {  	_ = 	snop;
	(pc) =	sbr.rel @p0 .LBB2_4-.Ltmp2, $4  }
0x7e: {  	_ =	swait.ge [sflag:s20], $0x8000  }
0x7f: {  	[sflag:s20] =	ssyncset.done $0x0  }
0x80: {  	s25 =	sadd.s32 $0x1000, s25;
	[sflag:s20] =	ssyncadd.s32 $0xFFFF8000  }
0x81: {  	[hbm4b:s25+s2] =	stream.linear.scatter [tilespmem:s28], [sflag:$0x4], $0x8000, $0x38;
	[tilespmem:$0x11000] =	vst v63  }
0x82: {  	_ =	swait.ge [sflag:s21], $0x8000  }
0x83: {  	[sflag:s21] =	ssyncset.done $0x0  }
0x84: {  	[sflag:s21] =	ssyncadd.s32 $0xFFFF8000  }
0x85: {  	v3 =	vld [tilespmem:s23+$0xFFFFFF70];
	_ =	sdelay $0x4  }
0x86: {  	v4 =	vshll.u32 v3, $0x3  }
0x87: {  	v3 =	vand.u32 $0x7, v3;
	v4 =	vand.u32 $0xFFFFFFC0, v4  }
0x88: {  	v3 =	vor.u32 v3, v4  }
0x89: {  	v4 =	vperm.xlane v3, v0;
	_ =	sdelay $0x1  }
0x8a: {  	v4 =	vadd.s32 v1, v4;
	_ =	sdelay $0x4  }
0x8b: {  	[tilespmem:s11], [sflag:$0x1] =	stream.indirect_vreg.gather [hbm4b:s3+s2], $0x80, v4, vm0, $0xb8;
	[tilespmem:$0x11000] =	vst v63  }
0x8c: {  	s25 =	simm.s32 $0x1800;
	v3 =	vperm.xlane v3, v2  }
0x8d: {  	[tilespmem:s25], [sflag:$0x1] =	stream.indirect_vreg.gather [hbm4b:s5+s2], $0x80, v4, vm0, $0xb8;
	[tilespmem:$0x11000] =	vst v63  }
0x8e: {  	v3 =	vadd.s32 v1, v3;
	s25 =	simm.s32 $0x2000  }
0x8f: {  	[tilespmem:s25], [sflag:$0x1] =	stream.indirect_vreg.gather [hbm4b:s6+s2], $0x80, v4, vm0, $0xb8;
	[tilespmem:$0x11000] =	vst v63  }
0x90: {  	s25 =	simm.s32 $0x2800  }
0x91: {  	[tilespmem:s25], [sflag:$0x1] =	stream.indirect_vreg.gather [hbm4b:s7+s2], $0x80, v4, vm0, $0xb8;
	[tilespmem:$0x11000] =	vst v63  }
0x92: {  	s25 =	simm.s32 $0x3000  }
0x93: {  	[tilespmem:s25], [sflag:$0x1] =	stream.indirect_vreg.gather [hbm4b:s3+s2], $0x80, v3, vm0, $0xb8;
	[tilespmem:$0x11000] =	vst v63  }
0x94: {  	s25 =	simm.s32 $0x3800  }
0x95: {  	[tilespmem:s25], [sflag:$0x1] =	stream.indirect_vreg.gather [hbm4b:s5+s2], $0x80, v3, vm0, $0xb8;
	[tilespmem:$0x11000] =	vst v63  }
0x96: {  	s25 =	simm.s32 $0x4000  }
0x97: {  	[tilespmem:s25], [sflag:$0x1] =	stream.indirect_vreg.gather [hbm4b:s6+s2], $0x80, v3, vm0, $0xb8;
	[tilespmem:$0x11000] =	vst v63  }
0x98: {  	s25 =	simm.s32 $0x4800  }
0x99: {  	[tilespmem:s25], [sflag:$0x1] =	stream.indirect_vreg.gather [hbm4b:s7+s2], $0x80, v3, vm0, $0xb8;
	[tilespmem:$0x11000] =	vst v63  }
0x9a: {  	v3 =	vld [tilespmem:s23+$0xFFFFFF80];
	_ =	sdelay $0x4  }
0x9b: {  	v61 =	vshll.u32 v3, $0x3  }
0x9c: {  	v3 =	vand.u32 $0x7, v3;
	v4 =	vand.u32 $0xFFFFFFC0, v61  }
0x9d: {  	v3 =	vor.u32 v3, v4  }
0x9e: {  	v4 =	vperm.xlane v3, v0;
	_ =	sdelay $0x1  }
0x9f: {  	v4 =	vadd.s32 v1, v4;
	_ =	sdelay $0x3  }
0xa0: {  	s25 =	simm.s32 $0x5000  }
0xa1: {  	[tilespmem:s25], [sflag:$0x1] =	stream.indirect_vreg.gather [hbm4b:s3+s2], $0x80, v4, vm0, $0xb8;
	[tilespmem:$0x11000] =	vst v63  }
0xa2: {  	v3 =	vperm.xlane v3, v2;
	s25 =	simm.s32 $0x5800  }
0xa3: {  	[tilespmem:s25], [sflag:$0x1] =	stream.indirect_vreg.gather [hbm4b:s5+s2], $0x80, v4, vm0, $0xb8;
	[tilespmem:$0x11000] =	vst v63  }
0xa4: {  	v3 =	vadd.s32 v1, v3;
	s25 =	simm.s32 $0x6000  }
0xa5: {  	[tilespmem:s25], [sflag:$0x1] =	stream.indirect_vreg.gather [hbm4b:s6+s2], $0x80, v4, vm0, $0xb8;
	[tilespmem:$0x11000] =	vst v63  }
0xa6: {  	s25 =	simm.s32 $0x6800  }
0xa7: {  	[tilespmem:s25], [sflag:$0x1] =	stream.indirect_vreg.gather [hbm4b:s7+s2], $0x80, v4, vm0, $0xb8;
	[tilespmem:$0x11000] =	vst v63  }
0xa8: {  	s25 =	simm.s32 $0x7000  }
0xa9: {  	[tilespmem:s25], [sflag:$0x1] =	stream.indirect_vreg.gather [hbm4b:s3+s2], $0x80, v3, vm0, $0xb8;
	[tilespmem:$0x11000] =	vst v63  }
0xaa: {  	s25 =	simm.s32 $0x7800  }
0xab: {  	[tilespmem:s25], [sflag:$0x1] =	stream.indirect_vreg.gather [hbm4b:s5+s2], $0x80, v3, vm0, $0xb8;
	[tilespmem:$0x11000] =	vst v63  }
0xac: {  	s25 =	simm.s32 $0x8000  }
0xad: {  	[tilespmem:s25], [sflag:$0x1] =	stream.indirect_vreg.gather [hbm4b:s6+s2], $0x80, v3, vm0, $0xb8;
	[tilespmem:$0x11000] =	vst v63  }
0xae: {  	_ = 	snop  }
0xaf: {  	[tilespmem:s26], [sflag:$0x1] =	stream.indirect_vreg.gather [hbm4b:s7+s2], $0x80, v3, vm0, $0xb8;
	[tilespmem:$0x11000] =	vst v63  }
0xb0: {  	_ =	swait.ge [sflag:s22], $0x8000  }
0xb1: {  	[sflag:s22] =	ssyncset.done $0x0  }
0xb2: {  	[sflag:s22] =	ssyncadd.s32 $0xFFFF8000  }
0xb3: {  	v3 =	vld [tilespmem:s23+$0xFFFFFFF0];
	_ =	sdelay $0x4  }
0xb4: {  	v62 =	vshll.u32 v3, $0x3  }
0xb5: {  	v3 =	vand.u32 $0x7, v3;
	v4 =	vand.u32 $0xFFFFFFC0, v62  }
0xb6: {  	v3 =	vor.u32 v3, v4  }
0xb7: {  	v4 =	vperm.xlane v3, v0;
	_ =	sdelay $0x1  }
0xb8: {  	v4 =	vadd.s32 v1, v4;
	_ =	sdelay $0x4  }
0xb9: {  	[tilespmem:s28], [sflag:$0x2] =	stream.indirect_vreg.gather [hbm4b:s3+s2], $0x80, v4, vm0, $0xb8;
	[tilespmem:$0x11000] =	vst v63  }
0xba: {  	v3 =	vperm.xlane v3, v2  }
0xbb: {  	[tilespmem:s29], [sflag:$0x2] =	stream.indirect_vreg.gather [hbm4b:s5+s2], $0x80, v4, vm0, $0xb8;
	[tilespmem:$0x11000] =	vst v63  }
0xbc: {  	v3 =	vadd.s32 v1, v3  }
0xbd: {  	[tilespmem:s30], [sflag:$0x2] =	stream.indirect_vreg.gather [hbm4b:s6+s2], $0x80, v4, vm0, $0xb8;
	[tilespmem:$0x11000] =	vst v63  }
0xbe: {  	_ = 	snop  }
0xbf: {  	[tilespmem:s31], [sflag:$0x2] =	stream.indirect_vreg.gather [hbm4b:s7+s2], $0x80, v4, vm0, $0xb8;
	[tilespmem:$0x11000] =	vst v63  }
0xc0: {  	_ = 	snop  }
0xc1: {  	[tilespmem:s0], [sflag:$0x2] =	stream.indirect_vreg.gather [hbm4b:s3+s2], $0x80, v3, vm0, $0xb8;
	[tilespmem:$0x11000] =	vst v63  }
0xc2: {  	_ = 	snop  }
0xc3: {  	[tilespmem:s1], [sflag:$0x2] =	stream.indirect_vreg.gather [hbm4b:s5+s2], $0x80, v3, vm0, $0xb8;
	[tilespmem:$0x11000] =	vst v63  }
0xc4: {  	_ = 	snop  }
0xc5: {  	[tilespmem:s4], [sflag:$0x2] =	stream.indirect_vreg.gather [hbm4b:s6+s2], $0x80, v3, vm0, $0xb8;
	[tilespmem:$0x11000] =	vst v63  }
0xc6: {  	_ = 	snop  }
0xc7: {  	[tilespmem:s8], [sflag:$0x2] =	stream.indirect_vreg.gather [hbm4b:s7+s2], $0x80, v3, vm0, $0xb8;
	[tilespmem:$0x11000] =	vst v63  }
0xc8: {  	v3 =	vld [tilespmem:s23+$0x0];
	_ =	sdelay $0x4  }
0xc9: {  	v63 =	vshll.u32 v3, $0x3  }
0xca: {  	v3 =	vand.u32 $0x7, v3;
	v4 =	vand.u32 $0xFFFFFFC0, v63  }
0xcb: {  	v3 =	vor.u32 v3, v4  }
0xcc: {  	v4 =	vperm.xlane v3, v0;
	_ =	sdelay $0x1  }
0xcd: {  	v4 =	vadd.s32 v1, v4;
	_ =	sdelay $0x4  }
0xce: {  	[tilespmem:s10], [sflag:$0x2] =	stream.indirect_vreg.gather [hbm4b:s3+s2], $0x80, v4, vm0, $0xb8;
	[tilespmem:$0x11000] =	vst v63  }
0xcf: {  	v3 =	vperm.xlane v3, v2  }
0xd0: {  	[tilespmem:s12], [sflag:$0x2] =	stream.indirect_vreg.gather [hbm4b:s5+s2], $0x80, v4, vm0, $0xb8;
	[tilespmem:$0x11000] =	vst v63  }
0xd1: {  	v3 =	vadd.s32 v1, v3  }
0xd2: {  	[tilespmem:s13], [sflag:$0x2] =	stream.indirect_vreg.gather [hbm4b:s6+s2], $0x80, v4, vm0, $0xb8;
	[tilespmem:$0x11000] =	vst v63  }
0xd3: {  	_ = 	snop  }
0xd4: {  	[tilespmem:s14], [sflag:$0x2] =	stream.indirect_vreg.gather [hbm4b:s7+s2], $0x80, v4, vm0, $0xb8;
	[tilespmem:$0x11000] =	vst v63  }
0xd5: {  	_ = 	snop  }
0xd6: {  	[tilespmem:s15], [sflag:$0x2] =	stream.indirect_vreg.gather [hbm4b:s3+s2], $0x80, v3, vm0, $0xb8;
	[tilespmem:$0x11000] =	vst v63  }
0xd7: {  	_ = 	snop  }
0xd8: {  	[tilespmem:s16], [sflag:$0x2] =	stream.indirect_vreg.gather [hbm4b:s5+s2], $0x80, v3, vm0, $0xb8;
	[tilespmem:$0x11000] =	vst v63  }
.Ltmp3:
0xd9: {  	_ = 	snop;
	(pc) =	sbr.rel .LBB2_2-.Ltmp3, $4  }
0xda: {  	_ = 	snop  }
0xdb: {  	[tilespmem:s17], [sflag:$0x2] =	stream.indirect_vreg.gather [hbm4b:s6+s2], $0x80, v3, vm0, $0xb8;
	[tilespmem:$0x11000] =	vst v63  }
0xdc: {  	s24 =	sadd.s32 $0x2000, s24;
	s23 =	sadd.s32 $0x100, s23  }
0xdd: {  	[tilespmem:s18], [sflag:$0x2] =	stream.indirect_vreg.gather [hbm4b:s7+s2], $0x80, v3, vm0, $0xb8;
	[tilespmem:$0x11000] =	vst v63  }
.LBB2_5:
0xde: {  	_ =	sfence.sel $0x180000  }
0xdf: {  	[bflag:$0x0] =	sbarrier.arrive $0xFFFF  }
0xe0: {  	_ =	strace $0x90000047  }
0xe1: {  	s0 =	stileid.u32;
	[bflag:$0x2] =	sbarrier.arrive $0xFFFF  }
0xe2: {  	p0 =	sne.s32 s0, $0x0;
	s0 =	rddreg [dreg:$0x2]  }
0xe3: {  	s0 =	sadd.s32 @!p0 $0x100000, s0  }
0xe4: {  	[sflag:s0] =	ssyncadd.tile.s32 @!p0 $0x1;
	_ =	shalt  }
.Lfunc_end2:
_tile_overlayer_lowered:
.L_overlay_start_2:
0xe5: {  	(tag) =	ssettag $0x2  }
0xe6: {  	s0 =	rddreg [dreg:$0x0];
	s2 =	stileid.u32  }
0xe7: {  	s1 =	rddreg [dreg:$0x1];
	p0 =	sne.s32 s2, $0x0  }
0xe8: {  	s3 =	rddreg [dreg:$0x2];
	[bflag:$0x3] =	sbarrier.arrive $0xFFFF;
	s2 =	simm.s32 @!p0 $0x1C05  }
0xe9: {  	[timem:s3], [sflag:s2] =	dma.local @!p0 [hbm:s0], s1  }
0xea: {  	s0 =	simm.s32 @!p0 $0x5  }
0xeb: {  	_ =	swait.ge @!p0 [sflag:s0], s1  }
0xec: {  	s1 =	ssub.s32 @!p0 $0x0, s1;
	[sflag:s0] =	ssyncset.done @!p0 $0x0  }
0xed: {  	[sflag:s0] =	ssyncadd.s32 @!p0 s1  }
0xee: {  	[bflag:$0x3] =	sbarrier.arrive $0xFFFF  }
0xef: {  	_ =	shalt  }

</sc_bundles>
